<compile_context>
chip_gen: v7x
topology: tpu7x:2x2x1
jax: 0.10.2.dev20260603
libtpu: 0.0.44.dev20260713+nightly
codegen_flags: <defaults>
</compile_context>

<pallas_src>
import jax
import jax.numpy as jnp
from jax import lax
from jax.experimental import pallas as pl
from jax.experimental.pallas import tpu as pltpu
from jax.experimental.pallas import tpu_sc as plsc

_D = 26
_B = 16384
_F = 128
_NW = 32
_BPW = _B // _NW
_CHUNK = 128
_NCHUNK = _BPW // _CHUNK
_L = 16


def _body(x_hbm, dom_hbm, out_hbm, dom_v, ridx_v, rows_v, gsems, ssem):
    wid = lax.axis_index("s") * 2 + lax.axis_index("c")
    base = wid * _BPW

    pltpu.sync_copy(dom_hbm.at[pl.ds(base, _BPW)], dom_v)

    lane = lax.iota(jnp.int32, _L)
    vpc = _CHUNK // _L

    @pl.loop(0, _BPW // _L)
    def _(v):
        d = dom_v[pl.ds(v * _L, _L)]
        ridx_v[v // vpc, pl.ds((v % vpc) * _L, _L)] = (
            d * _B + (base + v * _L) + lane)
    def _gather(c):
        return pltpu.make_async_copy(
            x_hbm.at[ridx_v.at[c]], rows_v.at[c], gsems.at[c])

    def _store(c):
        return pltpu.make_async_copy(
            rows_v.at[c], out_hbm.at[pl.ds(base + c * _CHUNK, _CHUNK)], ssem)

    for c in range(_NCHUNK):
        _gather(c).start()

    for c in range(_NCHUNK):
        _gather(c).wait()
        _store(c).start()

    for c in range(_NCHUNK):
        _store(c).wait()


@jax.jit
def kernel(X, sample_domain):
    x2 = X.reshape(_D * _B, _F)
    mesh = plsc.VectorSubcoreMesh(core_axis_name="c", subcore_axis_name="s")
    k = pl.kernel(
        _body,
        out_type=jax.ShapeDtypeStruct((_B, _F), jnp.float32),
        mesh=mesh,
        scratch_types=[
            pltpu.VMEM((_BPW,), jnp.int32),
            pltpu.VMEM((_NCHUNK, _CHUNK), jnp.int32),
            pltpu.VMEM((_NCHUNK, _CHUNK, _F), jnp.float32),
            pltpu.SemaphoreType.DMA((_NCHUNK,)),
            pltpu.SemaphoreType.DMA,
        ],
    )
    return k(x2, sample_domain)

# --- scband reference (transcript-rebuilt; emitter-appended) ---
"""Pipeline reference for scband-select-domain-module-47321949667924 (READ-ONLY COPY).

The authoritative reference and input builder live on the scoring server;
editing this copy changes nothing except your own understanding.
"""

import jax, jax.numpy as jnp
import numpy as np


def setup_inputs(seed: int = 0) -> dict:
    key = jax.random.key(seed)
    k1, k2 = jax.random.split(key)
    X = jax.random.normal(k1, (26, 16384, 128), dtype=jnp.float32)
    sample_domain = jax.random.randint(k2, (16384,), 0, 26, dtype=jnp.int32)
    return {"X": X, "sample_domain": sample_domain}


def reference(X, sample_domain):
    # Equivalent of torch: X[sample_domain, torch.arange(X.size(1))]
    # Advanced indexing: picks X[sample_domain[i], i, :] for each i -> shape [B, d]
    cols = jnp.arange(X.shape[1])
    out = X[sample_domain, cols]
    return out

if __name__ == "__main__":
    import jax
    _d = setup_inputs()
    print(jax.jit(kernel)(*tuple(_d.values())))

</pallas_src>

<mosaic_0001>
#map = affine_map<(d0, d1) -> (0, 0)>
#map1 = affine_map<(d0, d1) -> (0)>
module attributes {stable_mosaic.version = 14 : i64} {
  func.func @_body(%arg0: i32, %arg1: i32, %arg2: memref<425984x128xf32, #tpu.memory_space<hbm>>, %arg3: memref<16384xi32, #tpu.memory_space<hbm>>, %arg4: memref<16384x128xf32, #tpu.memory_space<hbm>>, %arg5: memref<512xi32, #tpu.memory_space<vmem>>, %arg6: memref<4x128xi32, #tpu.memory_space<vmem>>, %arg7: memref<4x128x128xf32, #tpu.memory_space<vmem>>, %arg8: memref<4x!tpu.dma_semaphore, #tpu.memory_space<semaphore_mem>>, %arg9: memref<!tpu.dma_semaphore, #tpu.memory_space<semaphore_mem>>) attributes {dimension_semantics = [#tpu.dimension_semantics<core_parallel>, #tpu.dimension_semantics<subcore_parallel>], iteration_bounds = array<i64: 2, 16>, scalar_prefetch = 0 : i64, scratch_operands = 5 : i64, tpu.core_type = #tpu.core_type<sc_vector_subcore>, window_params = [{transform_indices = #map}, {transform_indices = #map1}, {transform_indices = #map}]} {
    %mul3A = arith.constant 2 : i32
    %mul3A_0 = arith.muli %arg1, %mul3A : i32
    %add3A = arith.addi %mul3A_0, %arg0 : i32
    %mul3A_1 = arith.constant 512 : i32
    %mul3A_2 = arith.muli %add3A, %mul3A_1 : i32
    "tpu.region"() ({
      %run_scoped3A = tpu.sem_alloc : memref<!tpu.dma_semaphore, #tpu.memory_space<semaphore_mem>>
      %dma_start3A_245 = tpu.memref_slice %arg3[%mul3A_2] : memref<16384xi32, #tpu.memory_space<hbm>> -> memref<512xi32, #tpu.memory_space<hbm>>
      %dma_start3A_246 = tpu.memref_slice %arg3[%mul3A_2] : memref<16384xi32, #tpu.memory_space<hbm>> -> memref<512xi32, #tpu.memory_space<hbm>>
      tpu.enqueue_dma source(%dma_start3A_246 : memref<512xi32, #tpu.memory_space<hbm>>) target(%arg5 : memref<512xi32, #tpu.memory_space<vmem>>) target_semaphore(%run_scoped3A : memref<!tpu.dma_semaphore, #tpu.memory_space<semaphore_mem>>)
      %dma_wait3A_247 = tpu.memref_slice %arg3[%mul3A_2] : memref<16384xi32, #tpu.memory_space<hbm>> -> memref<512xi32, #tpu.memory_space<hbm>>
      %dma_wait3A_248 = tpu.memref_slice %arg3[%mul3A_2] : memref<16384xi32, #tpu.memory_space<hbm>> -> memref<512xi32, #tpu.memory_space<hbm>>
      tpu.wait_dma2 semaphore(%run_scoped3A : memref<!tpu.dma_semaphore, #tpu.memory_space<semaphore_mem>>) src(%dma_wait3A_248 : memref<512xi32, #tpu.memory_space<hbm>>) dst(%arg5 : memref<512xi32, #tpu.memory_space<vmem>>)
      tpu.yield
    }) : () -> ()
    %iota3A = tpu.iota {dimensions = array<i32: 0>} : vector<16xi32>
    %scan3A = arith.constant 0 : i32
    %scan3A_3 = arith.constant 32 : i32
    %scan3A_4 = arith.addi %scan3A, %scan3A_3 : i32
    %scan3A_5 = arith.constant 1 : i32
    scf.for %scan3A_245 = %scan3A to %scan3A_4 step %scan3A_5  : i32 {
      %mul3A_246 = arith.constant 1 : i32
      %mul3A_247 = arith.muli %scan3A_245, %mul3A_246 : i32
      %add3A_248 = arith.constant 0 : i32
      %add3A_249 = arith.addi %add3A_248, %mul3A_247 : i32
      %mul3A_250 = arith.constant 16 : i32
      %mul3A_251 = arith.muli %add3A_249, %mul3A_250 : i32
      %get3A = arith.index_cast %mul3A_251 : i32 to index
      %get3A_252 = tpu.vector_load %arg5[%get3A] {strides = array<i32>} : memref<512xi32, #tpu.memory_space<vmem>>, vector<16xi32>,
      %get3A_253 = vector.shape_cast %get3A_252 : vector<16xi32> to vector<16xi32>
      %mul3A_254 = arith.constant 16384 : i32
      %mul3A_255 = vector.broadcast %mul3A_254 : i32 to vector<16xi32>
      %mul3A_256 = arith.muli %get3A_253, %mul3A_255 : vector<16xi32>
      %mul3A_257 = arith.constant 16 : i32
      %mul3A_258 = arith.muli %add3A_249, %mul3A_257 : i32
      %add3A_259 = arith.addi %mul3A_2, %mul3A_258 : i32
      %add3A_260 = vector.broadcast %add3A_259 : i32 to vector<16xi32>
      %add3A_261 = arith.addi %mul3A_256, %add3A_260 : vector<16xi32>
      %add3A_262 = arith.addi %add3A_261, %iota3A : vector<16xi32>
      %jit3A = arith.constant 8 : i32
      %div3A = arith.divsi %add3A_249, %jit3A : i32
      %sign3A = arith.constant 0 : i32
      %sign3A_263 = arith.cmpi sgt, %add3A_249, %sign3A : i32
      %sign3A_264 = arith.extui %sign3A_263 : i1 to i32
      %sign3A_265 = arith.constant 0 : i32
      %sign3A_266 = arith.cmpi slt, %add3A_249, %sign3A_265 : i32
      %sign3A_267 = arith.extui %sign3A_266 : i1 to i32
      %sign3A_268 = arith.subi %sign3A_264, %sign3A_267 : i32
      %sign3A_269 = arith.constant 0 : i32
      %sign3A_270 = arith.cmpi sgt, %jit3A, %sign3A_269 : i32
      %sign3A_271 = arith.extui %sign3A_270 : i1 to i32
      %sign3A_272 = arith.constant 0 : i32
      %sign3A_273 = arith.cmpi slt, %jit3A, %sign3A_272 : i32
      %sign3A_274 = arith.extui %sign3A_273 : i1 to i32
      %sign3A_275 = arith.subi %sign3A_271, %sign3A_274 : i32
      %ne3A = arith.cmpi ne, %sign3A_268, %sign3A_275 : i32
      %rem3A = arith.remsi %add3A_249, %jit3A : i32
      %ne3A_276 = arith.constant 0 : i32
      %ne3A_277 = arith.cmpi ne, %rem3A, %ne3A_276 : i32
      %and3A = arith.andi %ne3A, %ne3A_277 : i1
      %sub3A = arith.constant 1 : i32
      %sub3A_278 = arith.subi %div3A, %sub3A : i32
      %select_n3A = arith.select %and3A, %sub3A_278, %div3A : i32
      %jit3A_279 = arith.constant 8 : i32
      %eq3A = arith.constant 0 : i32
      %eq3A_280 = arith.cmpi eq, %jit3A_279, %eq3A : i32
      %jit3A_281 = arith.constant 1 : i32
      %select_n3A_282 = arith.select %eq3A_280, %jit3A_281, %jit3A_279 : i32
      %rem3A_283 = arith.remsi %add3A_249, %select_n3A_282 : i32
      %ne3A_284 = arith.constant 0 : i32
      %ne3A_285 = arith.cmpi ne, %rem3A_283, %ne3A_284 : i32
      %lt3A = arith.constant 0 : i32
      %lt3A_286 = arith.cmpi slt, %rem3A_283, %lt3A : i32
      %lt3A_287 = arith.constant 0 : i32
      %lt3A_288 = arith.cmpi slt, %select_n3A_282, %lt3A_287 : i32
      %ne3A_289 = arith.xori %lt3A_286, %lt3A_288 : i1
      %and3A_290 = arith.andi %ne3A_289, %ne3A_285 : i1
      %add3A_291 = arith.addi %rem3A_283, %select_n3A_282 : i32
      %select_n3A_292 = arith.select %and3A_290, %add3A_291, %rem3A_283 : i32
      %mul3A_293 = arith.constant 16 : i32
      %mul3A_294 = arith.muli %select_n3A_292, %mul3A_293 : i32
      %swap3A = arith.index_cast %select_n3A : i32 to index
      %swap3A_295 = arith.index_cast %mul3A_294 : i32 to index
      %swap3A_296 = tpu.vector_load %arg6[%swap3A, %swap3A_295] {strides = array<i32>} : memref<4x128xi32, #tpu.memory_space<vmem>>, vector<1x16xi32>,
      %swap3A_297 = vector.shape_cast %swap3A_296 : vector<1x16xi32> to vector<16xi32>
      %swap3A_298 = vector.shape_cast %add3A_262 : vector<16xi32> to vector<1x16xi32>
      tpu.vector_store %arg6[%swap3A, %swap3A_295], %swap3A_298 {strides = array<i32>} : memref<4x128xi32, #tpu.memory_space<vmem>>, vector<1x16xi32>,
    }
    %scan3A_6 = arith.constant 32 : i32
    %dma_start3A = arith.constant 0 : i32
    %dma_start3A_7 = arith.constant 0 : i32
    %dma_start3A_8 = arith.constant 0 : i32
    %dma_start3A_9 = arith.constant 0 : i32
    %dma_start3A_10 = arith.constant 0 : i32
    %dma_start3A_11 = tpu.memref_slice %arg7[%dma_start3A_7, %dma_start3A_9, %dma_start3A_10] : memref<4x128x128xf32, #tpu.memory_space<vmem>> -> memref<1x128x128xf32, #tpu.memory_space<vmem>>
    %dma_start3A_12 = tpu.memref_squeeze %dma_start3A_11 : memref<1x128x128xf32, #tpu.memory_space<vmem>> -> memref<128x128xf32, #tpu.memory_space<vmem>>
    %dma_start3A_13 = arith.constant 0 : i32
    %dma_start3A_14 = tpu.memref_slice %arg6[%dma_start3A, %dma_start3A_13] : memref<4x128xi32, #tpu.memory_space<vmem>> -> memref<1x128xi32, #tpu.memory_space<vmem>>
    %dma_start3A_15 = tpu.memref_squeeze %dma_start3A_14 : memref<1x128xi32, #tpu.memory_space<vmem>> -> memref<128xi32, #tpu.memory_space<vmem>>
    %dma_start3A_16 = arith.constant 0 : i32
    %dma_start3A_17 = arith.constant 0 : i32
    %dma_start3A_18 = tpu.memref_slice %arg2[%dma_start3A_16, %dma_start3A_17] : memref<425984x128xf32, #tpu.memory_space<hbm>> -> memref<425984x128xf32, #tpu.memory_space<hbm>>
    %dma_start3A_19 = tpu.memref_slice %arg8[%dma_start3A_8] : memref<4x!tpu.dma_semaphore, #tpu.memory_space<semaphore_mem>> -> memref<1x!tpu.dma_semaphore, #tpu.memory_space<semaphore_mem>>
    %dma_start3A_20 = tpu.memref_squeeze %dma_start3A_19 : memref<1x!tpu.dma_semaphore, #tpu.memory_space<semaphore_mem>> -> memref<!tpu.dma_semaphore, #tpu.memory_space<semaphore_mem>>
    tpu.enqueue_indirect_dma source(%dma_start3A_18 : memref<425984x128xf32, #tpu.memory_space<hbm>>) target(%dma_start3A_12 : memref<128x128xf32, #tpu.memory_space<vmem>>) offsets(%dma_start3A_15 : memref<128xi32, #tpu.memory_space<vmem>>) semaphore(%dma_start3A_20 : memref<!tpu.dma_semaphore, #tpu.memory_space<semaphore_mem>>)
    %dma_start3A_21 = arith.constant 1 : i32
    %dma_start3A_22 = arith.constant 1 : i32
    %dma_start3A_23 = arith.constant 1 : i32
    %dma_start3A_24 = arith.constant 0 : i32
    %dma_start3A_25 = arith.constant 0 : i32
    %dma_start3A_26 = tpu.memref_slice %arg7[%dma_start3A_22, %dma_start3A_24, %dma_start3A_25] : memref<4x128x128xf32, #tpu.memory_space<vmem>> -> memref<1x128x128xf32, #tpu.memory_space<vmem>>
    %dma_start3A_27 = tpu.memref_squeeze %dma_start3A_26 : memref<1x128x128xf32, #tpu.memory_space<vmem>> -> memref<128x128xf32, #tpu.memory_space<vmem>>
    %dma_start3A_28 = arith.constant 0 : i32
    %dma_start3A_29 = tpu.memref_slice %arg6[%dma_start3A_21, %dma_start3A_28] : memref<4x128xi32, #tpu.memory_space<vmem>> -> memref<1x128xi32, #tpu.memory_space<vmem>>
    %dma_start3A_30 = tpu.memref_squeeze %dma_start3A_29 : memref<1x128xi32, #tpu.memory_space<vmem>> -> memref<128xi32, #tpu.memory_space<vmem>>
    %dma_start3A_31 = arith.constant 0 : i32
    %dma_start3A_32 = arith.constant 0 : i32
    %dma_start3A_33 = tpu.memref_slice %arg2[%dma_start3A_31, %dma_start3A_32] : memref<425984x128xf32, #tpu.memory_space<hbm>> -> memref<425984x128xf32, #tpu.memory_space<hbm>>
    %dma_start3A_34 = tpu.memref_slice %arg8[%dma_start3A_23] : memref<4x!tpu.dma_semaphore, #tpu.memory_space<semaphore_mem>> -> memref<1x!tpu.dma_semaphore, #tpu.memory_space<semaphore_mem>>
    %dma_start3A_35 = tpu.memref_squeeze %dma_start3A_34 : memref<1x!tpu.dma_semaphore, #tpu.memory_space<semaphore_mem>> -> memref<!tpu.dma_semaphore, #tpu.memory_space<semaphore_mem>>
    tpu.enqueue_indirect_dma source(%dma_start3A_33 : memref<425984x128xf32, #tpu.memory_space<hbm>>) target(%dma_start3A_27 : memref<128x128xf32, #tpu.memory_space<vmem>>) offsets(%dma_start3A_30 : memref<128xi32, #tpu.memory_space<vmem>>) semaphore(%dma_start3A_35 : memref<!tpu.dma_semaphore, #tpu.memory_space<semaphore_mem>>)
    %dma_start3A_36 = arith.constant 2 : i32
    %dma_start3A_37 = arith.constant 2 : i32
    %dma_start3A_38 = arith.constant 2 : i32
    %dma_start3A_39 = arith.constant 0 : i32
    %dma_start3A_40 = arith.constant 0 : i32
    %dma_start3A_41 = tpu.memref_slice %arg7[%dma_start3A_37, %dma_start3A_39, %dma_start3A_40] : memref<4x128x128xf32, #tpu.memory_space<vmem>> -> memref<1x128x128xf32, #tpu.memory_space<vmem>>
    %dma_start3A_42 = tpu.memref_squeeze %dma_start3A_41 : memref<1x128x128xf32, #tpu.memory_space<vmem>> -> memref<128x128xf32, #tpu.memory_space<vmem>>
    %dma_start3A_43 = arith.constant 0 : i32
    %dma_start3A_44 = tpu.memref_slice %arg6[%dma_start3A_36, %dma_start3A_43] : memref<4x128xi32, #tpu.memory_space<vmem>> -> memref<1x128xi32, #tpu.memory_space<vmem>>
    %dma_start3A_45 = tpu.memref_squeeze %dma_start3A_44 : memref<1x128xi32, #tpu.memory_space<vmem>> -> memref<128xi32, #tpu.memory_space<vmem>>
    %dma_start3A_46 = arith.constant 0 : i32
    %dma_start3A_47 = arith.constant 0 : i32
    %dma_start3A_48 = tpu.memref_slice %arg2[%dma_start3A_46, %dma_start3A_47] : memref<425984x128xf32, #tpu.memory_space<hbm>> -> memref<425984x128xf32, #tpu.memory_space<hbm>>
    %dma_start3A_49 = tpu.memref_slice %arg8[%dma_start3A_38] : memref<4x!tpu.dma_semaphore, #tpu.memory_space<semaphore_mem>> -> memref<1x!tpu.dma_semaphore, #tpu.memory_space<semaphore_mem>>
    %dma_start3A_50 = tpu.memref_squeeze %dma_start3A_49 : memref<1x!tpu.dma_semaphore, #tpu.memory_space<semaphore_mem>> -> memref<!tpu.dma_semaphore, #tpu.memory_space<semaphore_mem>>
    tpu.enqueue_indirect_dma source(%dma_start3A_48 : memref<425984x128xf32, #tpu.memory_space<hbm>>) target(%dma_start3A_42 : memref<128x128xf32, #tpu.memory_space<vmem>>) offsets(%dma_start3A_45 : memref<128xi32, #tpu.memory_space<vmem>>) semaphore(%dma_start3A_50 : memref<!tpu.dma_semaphore, #tpu.memory_space<semaphore_mem>>)
    %dma_start3A_51 = arith.constant 3 : i32
    %dma_start3A_52 = arith.constant 3 : i32
    %dma_start3A_53 = arith.constant 3 : i32
    %dma_start3A_54 = arith.constant 0 : i32
    %dma_start3A_55 = arith.constant 0 : i32
    %dma_start3A_56 = tpu.memref_slice %arg7[%dma_start3A_52, %dma_start3A_54, %dma_start3A_55] : memref<4x128x128xf32, #tpu.memory_space<vmem>> -> memref<1x128x128xf32, #tpu.memory_space<vmem>>
    %dma_start3A_57 = tpu.memref_squeeze %dma_start3A_56 : memref<1x128x128xf32, #tpu.memory_space<vmem>> -> memref<128x128xf32, #tpu.memory_space<vmem>>
    %dma_start3A_58 = arith.constant 0 : i32
    %dma_start3A_59 = tpu.memref_slice %arg6[%dma_start3A_51, %dma_start3A_58] : memref<4x128xi32, #tpu.memory_space<vmem>> -> memref<1x128xi32, #tpu.memory_space<vmem>>
    %dma_start3A_60 = tpu.memref_squeeze %dma_start3A_59 : memref<1x128xi32, #tpu.memory_space<vmem>> -> memref<128xi32, #tpu.memory_space<vmem>>
    %dma_start3A_61 = arith.constant 0 : i32
    %dma_start3A_62 = arith.constant 0 : i32
    %dma_start3A_63 = tpu.memref_slice %arg2[%dma_start3A_61, %dma_start3A_62] : memref<425984x128xf32, #tpu.memory_space<hbm>> -> memref<425984x128xf32, #tpu.memory_space<hbm>>
    %dma_start3A_64 = tpu.memref_slice %arg8[%dma_start3A_53] : memref<4x!tpu.dma_semaphore, #tpu.memory_space<semaphore_mem>> -> memref<1x!tpu.dma_semaphore, #tpu.memory_space<semaphore_mem>>
    %dma_start3A_65 = tpu.memref_squeeze %dma_start3A_64 : memref<1x!tpu.dma_semaphore, #tpu.memory_space<semaphore_mem>> -> memref<!tpu.dma_semaphore, #tpu.memory_space<semaphore_mem>>
    tpu.enqueue_indirect_dma source(%dma_start3A_63 : memref<425984x128xf32, #tpu.memory_space<hbm>>) target(%dma_start3A_57 : memref<128x128xf32, #tpu.memory_space<vmem>>) offsets(%dma_start3A_60 : memref<128xi32, #tpu.memory_space<vmem>>) semaphore(%dma_start3A_65 : memref<!tpu.dma_semaphore, #tpu.memory_space<semaphore_mem>>)
    %dma_wait3A = arith.constant 0 : i32
    %dma_wait3A_66 = arith.constant 0 : i32
    %dma_wait3A_67 = arith.constant 0 : i32
    %dma_wait3A_68 = arith.constant 0 : i32
    %dma_wait3A_69 = arith.constant 0 : i32
    %dma_wait3A_70 = tpu.memref_slice %arg7[%dma_wait3A_66, %dma_wait3A_68, %dma_wait3A_69] : memref<4x128x128xf32, #tpu.memory_space<vmem>> -> memref<1x128x128xf32, #tpu.memory_space<vmem>>
    %dma_wait3A_71 = tpu.memref_squeeze %dma_wait3A_70 : memref<1x128x128xf32, #tpu.memory_space<vmem>> -> memref<128x128xf32, #tpu.memory_space<vmem>>
    %dma_wait3A_72 = arith.constant 0 : i32
    %dma_wait3A_73 = tpu.memref_slice %arg6[%dma_wait3A, %dma_wait3A_72] : memref<4x128xi32, #tpu.memory_space<vmem>> -> memref<1x128xi32, #tpu.memory_space<vmem>>
    %dma_wait3A_74 = tpu.memref_squeeze %dma_wait3A_73 : memref<1x128xi32, #tpu.memory_space<vmem>> -> memref<128xi32, #tpu.memory_space<vmem>>
    %dma_wait3A_75 = arith.constant 0 : i32
    %dma_wait3A_76 = arith.constant 0 : i32
    %dma_wait3A_77 = tpu.memref_slice %arg2[%dma_wait3A_75, %dma_wait3A_76] : memref<425984x128xf32, #tpu.memory_space<hbm>> -> memref<425984x128xf32, #tpu.memory_space<hbm>>
    %dma_wait3A_78 = tpu.memref_slice %arg8[%dma_wait3A_67] : memref<4x!tpu.dma_semaphore, #tpu.memory_space<semaphore_mem>> -> memref<1x!tpu.dma_semaphore, #tpu.memory_space<semaphore_mem>>
    %dma_wait3A_79 = tpu.memref_squeeze %dma_wait3A_78 : memref<1x!tpu.dma_semaphore, #tpu.memory_space<semaphore_mem>> -> memref<!tpu.dma_semaphore, #tpu.memory_space<semaphore_mem>>
    tpu.wait_indirect_dma semaphore(%dma_wait3A_79 : memref<!tpu.dma_semaphore, #tpu.memory_space<semaphore_mem>>) src(%dma_wait3A_77 : memref<425984x128xf32, #tpu.memory_space<hbm>>) dst(%dma_wait3A_71 : memref<128x128xf32, #tpu.memory_space<vmem>>)
    %add3A_80 = arith.constant 0 : i32
    %add3A_81 = arith.addi %mul3A_2, %add3A_80 : i32
    %dma_start3A_82 = arith.constant 0 : i32
    %dma_start3A_83 = arith.constant 0 : i32
    %dma_start3A_84 = arith.constant 0 : i32
    %dma_start3A_85 = tpu.memref_slice %arg7[%dma_start3A_82, %dma_start3A_83, %dma_start3A_84] : memref<4x128x128xf32, #tpu.memory_space<vmem>> -> memref<1x128x128xf32, #tpu.memory_space<vmem>>
    %dma_start3A_86 = tpu.memref_squeeze %dma_start3A_85 : memref<1x128x128xf32, #tpu.memory_space<vmem>> -> memref<128x128xf32, #tpu.memory_space<vmem>>
    %dma_start3A_87 = arith.constant 0 : i32
    %dma_start3A_88 = tpu.memref_slice %arg4[%add3A_81, %dma_start3A_87] : memref<16384x128xf32, #tpu.memory_space<hbm>> -> memref<128x128xf32, #tpu.memory_space<hbm>>
    %dma_start3A_89 = arith.constant 0 : i32
    %dma_start3A_90 = tpu.memref_slice %arg4[%add3A_81, %dma_start3A_89] : memref<16384x128xf32, #tpu.memory_space<hbm>> -> memref<128x128xf32, #tpu.memory_space<hbm>>
    %dma_start3A_91 = arith.constant 0 : i32
    %dma_start3A_92 = arith.constant 0 : i32
    %dma_start3A_93 = tpu.memref_slice %arg7[%dma_start3A_82, %dma_start3A_91, %dma_start3A_92] : memref<4x128x128xf32, #tpu.memory_space<vmem>> -> memref<1x128x128xf32, #tpu.memory_space<vmem>>
    %dma_start3A_94 = tpu.memref_squeeze %dma_start3A_93 : memref<1x128x128xf32, #tpu.memory_space<vmem>> -> memref<128x128xf32, #tpu.memory_space<vmem>>
    tpu.enqueue_dma source(%dma_start3A_94 : memref<128x128xf32, #tpu.memory_space<vmem>>) target(%dma_start3A_90 : memref<128x128xf32, #tpu.memory_space<hbm>>) target_semaphore(%arg9 : memref<!tpu.dma_semaphore, #tpu.memory_space<semaphore_mem>>)
    %dma_wait3A_95 = arith.constant 1 : i32
    %dma_wait3A_96 = arith.constant 1 : i32
    %dma_wait3A_97 = arith.constant 1 : i32
    %dma_wait3A_98 = arith.constant 0 : i32
    %dma_wait3A_99 = arith.constant 0 : i32
    %dma_wait3A_100 = tpu.memref_slice %arg7[%dma_wait3A_96, %dma_wait3A_98, %dma_wait3A_99] : memref<4x128x128xf32, #tpu.memory_space<vmem>> -> memref<1x128x128xf32, #tpu.memory_space<vmem>>
    %dma_wait3A_101 = tpu.memref_squeeze %dma_wait3A_100 : memref<1x128x128xf32, #tpu.memory_space<vmem>> -> memref<128x128xf32, #tpu.memory_space<vmem>>
    %dma_wait3A_102 = arith.constant 0 : i32
    %dma_wait3A_103 = tpu.memref_slice %arg6[%dma_wait3A_95, %dma_wait3A_102] : memref<4x128xi32, #tpu.memory_space<vmem>> -> memref<1x128xi32, #tpu.memory_space<vmem>>
    %dma_wait3A_104 = tpu.memref_squeeze %dma_wait3A_103 : memref<1x128xi32, #tpu.memory_space<vmem>> -> memref<128xi32, #tpu.memory_space<vmem>>
    %dma_wait3A_105 = arith.constant 0 : i32
    %dma_wait3A_106 = arith.constant 0 : i32
    %dma_wait3A_107 = tpu.memref_slice %arg2[%dma_wait3A_105, %dma_wait3A_106] : memref<425984x128xf32, #tpu.memory_space<hbm>> -> memref<425984x128xf32, #tpu.memory_space<hbm>>
    %dma_wait3A_108 = tpu.memref_slice %arg8[%dma_wait3A_97] : memref<4x!tpu.dma_semaphore, #tpu.memory_space<semaphore_mem>> -> memref<1x!tpu.dma_semaphore, #tpu.memory_space<semaphore_mem>>
    %dma_wait3A_109 = tpu.memref_squeeze %dma_wait3A_108 : memref<1x!tpu.dma_semaphore, #tpu.memory_space<semaphore_mem>> -> memref<!tpu.dma_semaphore, #tpu.memory_space<semaphore_mem>>
    tpu.wait_indirect_dma semaphore(%dma_wait3A_109 : memref<!tpu.dma_semaphore, #tpu.memory_space<semaphore_mem>>) src(%dma_wait3A_107 : memref<425984x128xf32, #tpu.memory_space<hbm>>) dst(%dma_wait3A_101 : memref<128x128xf32, #tpu.memory_space<vmem>>)
    %add3A_110 = arith.constant 128 : i32
    %add3A_111 = arith.addi %mul3A_2, %add3A_110 : i32
    %dma_start3A_112 = arith.constant 1 : i32
    %dma_start3A_113 = arith.constant 0 : i32
    %dma_start3A_114 = arith.constant 0 : i32
    %dma_start3A_115 = tpu.memref_slice %arg7[%dma_start3A_112, %dma_start3A_113, %dma_start3A_114] : memref<4x128x128xf32, #tpu.memory_space<vmem>> -> memref<1x128x128xf32, #tpu.memory_space<vmem>>
    %dma_start3A_116 = tpu.memref_squeeze %dma_start3A_115 : memref<1x128x128xf32, #tpu.memory_space<vmem>> -> memref<128x128xf32, #tpu.memory_space<vmem>>
    %dma_start3A_117 = arith.constant 0 : i32
    %dma_start3A_118 = tpu.memref_slice %arg4[%add3A_111, %dma_start3A_117] : memref<16384x128xf32, #tpu.memory_space<hbm>> -> memref<128x128xf32, #tpu.memory_space<hbm>>
    %dma_start3A_119 = arith.constant 0 : i32
    %dma_start3A_120 = tpu.memref_slice %arg4[%add3A_111, %dma_start3A_119] : memref<16384x128xf32, #tpu.memory_space<hbm>> -> memref<128x128xf32, #tpu.memory_space<hbm>>
    %dma_start3A_121 = arith.constant 0 : i32
    %dma_start3A_122 = arith.constant 0 : i32
    %dma_start3A_123 = tpu.memref_slice %arg7[%dma_start3A_112, %dma_start3A_121, %dma_start3A_122] : memref<4x128x128xf32, #tpu.memory_space<vmem>> -> memref<1x128x128xf32, #tpu.memory_space<vmem>>
    %dma_start3A_124 = tpu.memref_squeeze %dma_start3A_123 : memref<1x128x128xf32, #tpu.memory_space<vmem>> -> memref<128x128xf32, #tpu.memory_space<vmem>>
    tpu.enqueue_dma source(%dma_start3A_124 : memref<128x128xf32, #tpu.memory_space<vmem>>) target(%dma_start3A_120 : memref<128x128xf32, #tpu.memory_space<hbm>>) target_semaphore(%arg9 : memref<!tpu.dma_semaphore, #tpu.memory_space<semaphore_mem>>)
    %dma_wait3A_125 = arith.constant 2 : i32
    %dma_wait3A_126 = arith.constant 2 : i32
    %dma_wait3A_127 = arith.constant 2 : i32
    %dma_wait3A_128 = arith.constant 0 : i32
    %dma_wait3A_129 = arith.constant 0 : i32
    %dma_wait3A_130 = tpu.memref_slice %arg7[%dma_wait3A_126, %dma_wait3A_128, %dma_wait3A_129] : memref<4x128x128xf32, #tpu.memory_space<vmem>> -> memref<1x128x128xf32, #tpu.memory_space<vmem>>
    %dma_wait3A_131 = tpu.memref_squeeze %dma_wait3A_130 : memref<1x128x128xf32, #tpu.memory_space<vmem>> -> memref<128x128xf32, #tpu.memory_space<vmem>>
    %dma_wait3A_132 = arith.constant 0 : i32
    %dma_wait3A_133 = tpu.memref_slice %arg6[%dma_wait3A_125, %dma_wait3A_132] : memref<4x128xi32, #tpu.memory_space<vmem>> -> memref<1x128xi32, #tpu.memory_space<vmem>>
    %dma_wait3A_134 = tpu.memref_squeeze %dma_wait3A_133 : memref<1x128xi32, #tpu.memory_space<vmem>> -> memref<128xi32, #tpu.memory_space<vmem>>
    %dma_wait3A_135 = arith.constant 0 : i32
    %dma_wait3A_136 = arith.constant 0 : i32
    %dma_wait3A_137 = tpu.memref_slice %arg2[%dma_wait3A_135, %dma_wait3A_136] : memref<425984x128xf32, #tpu.memory_space<hbm>> -> memref<425984x128xf32, #tpu.memory_space<hbm>>
    %dma_wait3A_138 = tpu.memref_slice %arg8[%dma_wait3A_127] : memref<4x!tpu.dma_semaphore, #tpu.memory_space<semaphore_mem>> -> memref<1x!tpu.dma_semaphore, #tpu.memory_space<semaphore_mem>>
    %dma_wait3A_139 = tpu.memref_squeeze %dma_wait3A_138 : memref<1x!tpu.dma_semaphore, #tpu.memory_space<semaphore_mem>> -> memref<!tpu.dma_semaphore, #tpu.memory_space<semaphore_mem>>
    tpu.wait_indirect_dma semaphore(%dma_wait3A_139 : memref<!tpu.dma_semaphore, #tpu.memory_space<semaphore_mem>>) src(%dma_wait3A_137 : memref<425984x128xf32, #tpu.memory_space<hbm>>) dst(%dma_wait3A_131 : memref<128x128xf32, #tpu.memory_space<vmem>>)
    %add3A_140 = arith.constant 256 : i32
    %add3A_141 = arith.addi %mul3A_2, %add3A_140 : i32
    %dma_start3A_142 = arith.constant 2 : i32
    %dma_start3A_143 = arith.constant 0 : i32
    %dma_start3A_144 = arith.constant 0 : i32
    %dma_start3A_145 = tpu.memref_slice %arg7[%dma_start3A_142, %dma_start3A_143, %dma_start3A_144] : memref<4x128x128xf32, #tpu.memory_space<vmem>> -> memref<1x128x128xf32, #tpu.memory_space<vmem>>
    %dma_start3A_146 = tpu.memref_squeeze %dma_start3A_145 : memref<1x128x128xf32, #tpu.memory_space<vmem>> -> memref<128x128xf32, #tpu.memory_space<vmem>>
    %dma_start3A_147 = arith.constant 0 : i32
    %dma_start3A_148 = tpu.memref_slice %arg4[%add3A_141, %dma_start3A_147] : memref<16384x128xf32, #tpu.memory_space<hbm>> -> memref<128x128xf32, #tpu.memory_space<hbm>>
    %dma_start3A_149 = arith.constant 0 : i32
    %dma_start3A_150 = tpu.memref_slice %arg4[%add3A_141, %dma_start3A_149] : memref<16384x128xf32, #tpu.memory_space<hbm>> -> memref<128x128xf32, #tpu.memory_space<hbm>>
    %dma_start3A_151 = arith.constant 0 : i32
    %dma_start3A_152 = arith.constant 0 : i32
    %dma_start3A_153 = tpu.memref_slice %arg7[%dma_start3A_142, %dma_start3A_151, %dma_start3A_152] : memref<4x128x128xf32, #tpu.memory_space<vmem>> -> memref<1x128x128xf32, #tpu.memory_space<vmem>>
    %dma_start3A_154 = tpu.memref_squeeze %dma_start3A_153 : memref<1x128x128xf32, #tpu.memory_space<vmem>> -> memref<128x128xf32, #tpu.memory_space<vmem>>
    tpu.enqueue_dma source(%dma_start3A_154 : memref<128x128xf32, #tpu.memory_space<vmem>>) target(%dma_start3A_150 : memref<128x128xf32, #tpu.memory_space<hbm>>) target_semaphore(%arg9 : memref<!tpu.dma_semaphore, #tpu.memory_space<semaphore_mem>>)
    %dma_wait3A_155 = arith.constant 3 : i32
    %dma_wait3A_156 = arith.constant 3 : i32
    %dma_wait3A_157 = arith.constant 3 : i32
    %dma_wait3A_158 = arith.constant 0 : i32
    %dma_wait3A_159 = arith.constant 0 : i32
    %dma_wait3A_160 = tpu.memref_slice %arg7[%dma_wait3A_156, %dma_wait3A_158, %dma_wait3A_159] : memref<4x128x128xf32, #tpu.memory_space<vmem>> -> memref<1x128x128xf32, #tpu.memory_space<vmem>>
    %dma_wait3A_161 = tpu.memref_squeeze %dma_wait3A_160 : memref<1x128x128xf32, #tpu.memory_space<vmem>> -> memref<128x128xf32, #tpu.memory_space<vmem>>
    %dma_wait3A_162 = arith.constant 0 : i32
    %dma_wait3A_163 = tpu.memref_slice %arg6[%dma_wait3A_155, %dma_wait3A_162] : memref<4x128xi32, #tpu.memory_space<vmem>> -> memref<1x128xi32, #tpu.memory_space<vmem>>
    %dma_wait3A_164 = tpu.memref_squeeze %dma_wait3A_163 : memref<1x128xi32, #tpu.memory_space<vmem>> -> memref<128xi32, #tpu.memory_space<vmem>>
    %dma_wait3A_165 = arith.constant 0 : i32
    %dma_wait3A_166 = arith.constant 0 : i32
    %dma_wait3A_167 = tpu.memref_slice %arg2[%dma_wait3A_165, %dma_wait3A_166] : memref<425984x128xf32, #tpu.memory_space<hbm>> -> memref<425984x128xf32, #tpu.memory_space<hbm>>
    %dma_wait3A_168 = tpu.memref_slice %arg8[%dma_wait3A_157] : memref<4x!tpu.dma_semaphore, #tpu.memory_space<semaphore_mem>> -> memref<1x!tpu.dma_semaphore, #tpu.memory_space<semaphore_mem>>
    %dma_wait3A_169 = tpu.memref_squeeze %dma_wait3A_168 : memref<1x!tpu.dma_semaphore, #tpu.memory_space<semaphore_mem>> -> memref<!tpu.dma_semaphore, #tpu.memory_space<semaphore_mem>>
    tpu.wait_indirect_dma semaphore(%dma_wait3A_169 : memref<!tpu.dma_semaphore, #tpu.memory_space<semaphore_mem>>) src(%dma_wait3A_167 : memref<425984x128xf32, #tpu.memory_space<hbm>>) dst(%dma_wait3A_161 : memref<128x128xf32, #tpu.memory_space<vmem>>)
    %add3A_170 = arith.constant 384 : i32
    %add3A_171 = arith.addi %mul3A_2, %add3A_170 : i32
    %dma_start3A_172 = arith.constant 3 : i32
    %dma_start3A_173 = arith.constant 0 : i32
    %dma_start3A_174 = arith.constant 0 : i32
    %dma_start3A_175 = tpu.memref_slice %arg7[%dma_start3A_172, %dma_start3A_173, %dma_start3A_174] : memref<4x128x128xf32, #tpu.memory_space<vmem>> -> memref<1x128x128xf32, #tpu.memory_space<vmem>>
    %dma_start3A_176 = tpu.memref_squeeze %dma_start3A_175 : memref<1x128x128xf32, #tpu.memory_space<vmem>> -> memref<128x128xf32, #tpu.memory_space<vmem>>
    %dma_start3A_177 = arith.constant 0 : i32
    %dma_start3A_178 = tpu.memref_slice %arg4[%add3A_171, %dma_start3A_177] : memref<16384x128xf32, #tpu.memory_space<hbm>> -> memref<128x128xf32, #tpu.memory_space<hbm>>
    %dma_start3A_179 = arith.constant 0 : i32
    %dma_start3A_180 = tpu.memref_slice %arg4[%add3A_171, %dma_start3A_179] : memref<16384x128xf32, #tpu.memory_space<hbm>> -> memref<128x128xf32, #tpu.memory_space<hbm>>
    %dma_start3A_181 = arith.constant 0 : i32
    %dma_start3A_182 = arith.constant 0 : i32
    %dma_start3A_183 = tpu.memref_slice %arg7[%dma_start3A_172, %dma_start3A_181, %dma_start3A_182] : memref<4x128x128xf32, #tpu.memory_space<vmem>> -> memref<1x128x128xf32, #tpu.memory_space<vmem>>
    %dma_start3A_184 = tpu.memref_squeeze %dma_start3A_183 : memref<1x128x128xf32, #tpu.memory_space<vmem>> -> memref<128x128xf32, #tpu.memory_space<vmem>>
    tpu.enqueue_dma source(%dma_start3A_184 : memref<128x128xf32, #tpu.memory_space<vmem>>) target(%dma_start3A_180 : memref<128x128xf32, #tpu.memory_space<hbm>>) target_semaphore(%arg9 : memref<!tpu.dma_semaphore, #tpu.memory_space<semaphore_mem>>)
    %add3A_185 = arith.constant 0 : i32
    %add3A_186 = arith.addi %mul3A_2, %add3A_185 : i32
    %dma_wait3A_187 = arith.constant 0 : i32
    %dma_wait3A_188 = arith.constant 0 : i32
    %dma_wait3A_189 = arith.constant 0 : i32
    %dma_wait3A_190 = tpu.memref_slice %arg7[%dma_wait3A_187, %dma_wait3A_188, %dma_wait3A_189] : memref<4x128x128xf32, #tpu.memory_space<vmem>> -> memref<1x128x128xf32, #tpu.memory_space<vmem>>
    %dma_wait3A_191 = tpu.memref_squeeze %dma_wait3A_190 : memref<1x128x128xf32, #tpu.memory_space<vmem>> -> memref<128x128xf32, #tpu.memory_space<vmem>>
    %dma_wait3A_192 = arith.constant 0 : i32
    %dma_wait3A_193 = tpu.memref_slice %arg4[%add3A_186, %dma_wait3A_192] : memref<16384x128xf32, #tpu.memory_space<hbm>> -> memref<128x128xf32, #tpu.memory_space<hbm>>
    %dma_wait3A_194 = arith.constant 0 : i32
    %dma_wait3A_195 = tpu.memref_slice %arg4[%add3A_186, %dma_wait3A_194] : memref<16384x128xf32, #tpu.memory_space<hbm>> -> memref<128x128xf32, #tpu.memory_space<hbm>>
    %dma_wait3A_196 = arith.constant 0 : i32
    %dma_wait3A_197 = arith.constant 0 : i32
    %dma_wait3A_198 = tpu.memref_slice %arg7[%dma_wait3A_187, %dma_wait3A_196, %dma_wait3A_197] : memref<4x128x128xf32, #tpu.memory_space<vmem>> -> memref<1x128x128xf32, #tpu.memory_space<vmem>>
    %dma_wait3A_199 = tpu.memref_squeeze %dma_wait3A_198 : memref<1x128x128xf32, #tpu.memory_space<vmem>> -> memref<128x128xf32, #tpu.memory_space<vmem>>
    tpu.wait_dma2 semaphore(%arg9 : memref<!tpu.dma_semaphore, #tpu.memory_space<semaphore_mem>>) src(%dma_wait3A_199 : memref<128x128xf32, #tpu.memory_space<vmem>>) dst(%dma_wait3A_195 : memref<128x128xf32, #tpu.memory_space<hbm>>)
    %add3A_200 = arith.constant 128 : i32
    %add3A_201 = arith.addi %mul3A_2, %add3A_200 : i32
    %dma_wait3A_202 = arith.constant 1 : i32
    %dma_wait3A_203 = arith.constant 0 : i32
    %dma_wait3A_204 = arith.constant 0 : i32
    %dma_wait3A_205 = tpu.memref_slice %arg7[%dma_wait3A_202, %dma_wait3A_203, %dma_wait3A_204] : memref<4x128x128xf32, #tpu.memory_space<vmem>> -> memref<1x128x128xf32, #tpu.memory_space<vmem>>
    %dma_wait3A_206 = tpu.memref_squeeze %dma_wait3A_205 : memref<1x128x128xf32, #tpu.memory_space<vmem>> -> memref<128x128xf32, #tpu.memory_space<vmem>>
    %dma_wait3A_207 = arith.constant 0 : i32
    %dma_wait3A_208 = tpu.memref_slice %arg4[%add3A_201, %dma_wait3A_207] : memref<16384x128xf32, #tpu.memory_space<hbm>> -> memref<128x128xf32, #tpu.memory_space<hbm>>
    %dma_wait3A_209 = arith.constant 0 : i32
    %dma_wait3A_210 = tpu.memref_slice %arg4[%add3A_201, %dma_wait3A_209] : memref<16384x128xf32, #tpu.memory_space<hbm>> -> memref<128x128xf32, #tpu.memory_space<hbm>>
    %dma_wait3A_211 = arith.constant 0 : i32
    %dma_wait3A_212 = arith.constant 0 : i32
    %dma_wait3A_213 = tpu.memref_slice %arg7[%dma_wait3A_202, %dma_wait3A_211, %dma_wait3A_212] : memref<4x128x128xf32, #tpu.memory_space<vmem>> -> memref<1x128x128xf32, #tpu.memory_space<vmem>>
    %dma_wait3A_214 = tpu.memref_squeeze %dma_wait3A_213 : memref<1x128x128xf32, #tpu.memory_space<vmem>> -> memref<128x128xf32, #tpu.memory_space<vmem>>
    tpu.wait_dma2 semaphore(%arg9 : memref<!tpu.dma_semaphore, #tpu.memory_space<semaphore_mem>>) src(%dma_wait3A_214 : memref<128x128xf32, #tpu.memory_space<vmem>>) dst(%dma_wait3A_210 : memref<128x128xf32, #tpu.memory_space<hbm>>)
    %add3A_215 = arith.constant 256 : i32
    %add3A_216 = arith.addi %mul3A_2, %add3A_215 : i32
    %dma_wait3A_217 = arith.constant 2 : i32
    %dma_wait3A_218 = arith.constant 0 : i32
    %dma_wait3A_219 = arith.constant 0 : i32
    %dma_wait3A_220 = tpu.memref_slice %arg7[%dma_wait3A_217, %dma_wait3A_218, %dma_wait3A_219] : memref<4x128x128xf32, #tpu.memory_space<vmem>> -> memref<1x128x128xf32, #tpu.memory_space<vmem>>
    %dma_wait3A_221 = tpu.memref_squeeze %dma_wait3A_220 : memref<1x128x128xf32, #tpu.memory_space<vmem>> -> memref<128x128xf32, #tpu.memory_space<vmem>>
    %dma_wait3A_222 = arith.constant 0 : i32
    %dma_wait3A_223 = tpu.memref_slice %arg4[%add3A_216, %dma_wait3A_222] : memref<16384x128xf32, #tpu.memory_space<hbm>> -> memref<128x128xf32, #tpu.memory_space<hbm>>
    %dma_wait3A_224 = arith.constant 0 : i32
    %dma_wait3A_225 = tpu.memref_slice %arg4[%add3A_216, %dma_wait3A_224] : memref<16384x128xf32, #tpu.memory_space<hbm>> -> memref<128x128xf32, #tpu.memory_space<hbm>>
    %dma_wait3A_226 = arith.constant 0 : i32
    %dma_wait3A_227 = arith.constant 0 : i32
    %dma_wait3A_228 = tpu.memref_slice %arg7[%dma_wait3A_217, %dma_wait3A_226, %dma_wait3A_227] : memref<4x128x128xf32, #tpu.memory_space<vmem>> -> memref<1x128x128xf32, #tpu.memory_space<vmem>>
    %dma_wait3A_229 = tpu.memref_squeeze %dma_wait3A_228 : memref<1x128x128xf32, #tpu.memory_space<vmem>> -> memref<128x128xf32, #tpu.memory_space<vmem>>
    tpu.wait_dma2 semaphore(%arg9 : memref<!tpu.dma_semaphore, #tpu.memory_space<semaphore_mem>>) src(%dma_wait3A_229 : memref<128x128xf32, #tpu.memory_space<vmem>>) dst(%dma_wait3A_225 : memref<128x128xf32, #tpu.memory_space<hbm>>)
    %add3A_230 = arith.constant 384 : i32
    %add3A_231 = arith.addi %mul3A_2, %add3A_230 : i32
    %dma_wait3A_232 = arith.constant 3 : i32
    %dma_wait3A_233 = arith.constant 0 : i32
    %dma_wait3A_234 = arith.constant 0 : i32
    %dma_wait3A_235 = tpu.memref_slice %arg7[%dma_wait3A_232, %dma_wait3A_233, %dma_wait3A_234] : memref<4x128x128xf32, #tpu.memory_space<vmem>> -> memref<1x128x128xf32, #tpu.memory_space<vmem>>
    %dma_wait3A_236 = tpu.memref_squeeze %dma_wait3A_235 : memref<1x128x128xf32, #tpu.memory_space<vmem>> -> memref<128x128xf32, #tpu.memory_space<vmem>>
    %dma_wait3A_237 = arith.constant 0 : i32
    %dma_wait3A_238 = tpu.memref_slice %arg4[%add3A_231, %dma_wait3A_237] : memref<16384x128xf32, #tpu.memory_space<hbm>> -> memref<128x128xf32, #tpu.memory_space<hbm>>
    %dma_wait3A_239 = arith.constant 0 : i32
    %dma_wait3A_240 = tpu.memref_slice %arg4[%add3A_231, %dma_wait3A_239] : memref<16384x128xf32, #tpu.memory_space<hbm>> -> memref<128x128xf32, #tpu.memory_space<hbm>>
    %dma_wait3A_241 = arith.constant 0 : i32
    %dma_wait3A_242 = arith.constant 0 : i32
    %dma_wait3A_243 = tpu.memref_slice %arg7[%dma_wait3A_232, %dma_wait3A_241, %dma_wait3A_242] : memref<4x128x128xf32, #tpu.memory_space<vmem>> -> memref<1x128x128xf32, #tpu.memory_space<vmem>>
    %dma_wait3A_244 = tpu.memref_squeeze %dma_wait3A_243 : memref<1x128x128xf32, #tpu.memory_space<vmem>> -> memref<128x128xf32, #tpu.memory_space<vmem>>
    tpu.wait_dma2 semaphore(%arg9 : memref<!tpu.dma_semaphore, #tpu.memory_space<semaphore_mem>>) src(%dma_wait3A_244 : memref<128x128xf32, #tpu.memory_space<vmem>>) dst(%dma_wait3A_240 : memref<128x128xf32, #tpu.memory_space<hbm>>)
    return
  }
}

</mosaic_0001>

<sc_bundles>
// kernel: kernel.3.cloned.1.call-start
scs
__scs_entry_jumppad:
0x0: {  	(pc) =	sbr.rel $0x88, $3  }
0x1: {  	(tag) =	ssettag $0x0;
	lr =	simm.s32 $0x1  }
0x2: {  	[smem:$0x3F9F] =	sst lr;
	_ =	strace $0xD0000000  }
0x3: {  	_ = 	snop  }
0x4: {  	_ = 	snop  }
0x5: {  	_ = 	snop  }
0x6: {  	_ = 	snop  }
0x7: {  	_ = 	snop  }
__scs_overlays_trampoline_lowered:
0x8: {  	[smem:$0x3FAE] =	sst s0  }
0x9: {  	[smem:$0x3FAF] =	sst s1  }
0xa: {  	[smem:$0x3FB0] =	sst s2  }
0xb: {  	[smem:$0x3FB1] =	sst s3  }
0xc: {  	[smem:$0x3FB2] =	sst s4  }
0xd: {  	[smem:$0x3FB3] =	sst s5  }
0xe: {  	[smem:$0x3FB4] =	sst s6  }
0xf: {  	[smem:$0x3FB5] =	sst s7  }
0x10: {  	[smem:$0x3FB6] =	sst s8  }
0x11: {  	[smem:$0x3FB7] =	sst s9;
	s0 =	simm.s32 @!p0 $0x0  }
0x12: {  	s1 =	sld [smem:$0x3F9D];
	s0 =	simm.s32 @p0 $0x1  }
0x13: {  	[smem:$0x3FB8] =	sst s0;
	s0 =	simm.s32 @!p1 $0x0  }
0x14: {  	s2 =	sld [smem:$0x3F9C];
	s0 =	simm.s32 @p1 $0x1  }
0x15: {  	[smem:$0x3FB9] =	sst s0;
	s0 =	simm.s32 @!p2 $0x0  }
0x16: {  	s3 =	sld [smem:$0x3FDB];
	s0 =	simm.s32 @p2 $0x1  }
0x17: {  	s4 =	simm.s32 $0x1BF5;
	[smem:$0x3FBB] =	sst s0  }
0x18: {  	s0 =	sld [smem:$0x3F9E];
	_ =	swait.ge [sflag:s4], $0x0  }
0x19: {  	s7 =	sld [smem:$0x3F9F]  }
0x1a: {  	s8 =	sadd.s32 $0xFFFFE003, lr  }
0x1b: {  	s9 =	sadd.s32 $0xFFFFFEF7, lr;
	s5 =	simm.s32 $0xFFFFFFFF;
	p2 =	slt.u32 s8, $0xFFFFF086  }
0x1c: {  	p1 =	slt.u32 s9, $0xF7A;
	s5 =	simm.s32 @!p2 $0x0  }
0x1d: {  	s5 =	simm.s32 @p1 $0x1;
	p0 =	seq.s32 s7, s2  }
0x1e: {  	s7 =	smul.u32 @!p0 $0xF7A, s2;
	p2 =	seq.s32 @!p0 s5, $0x0  }
0x1f: {  	s9 =	smul.u32 $0xF7A, s1;
	s8 =	simm.s32 @!p0 $0x1BF5;
	p2 =	por !p2, p0  }
0x20: {  	[sflag:s8] =	ssyncset.s32 @!p0 $0xFFFFF086;
	s6 =	sadd.s32 @!p0 s3, s7;
	s7 =	simm.s32 @!p0 $0x108  }
0x21: {  	s3 =	sadd.s32 s3, s9;
	s6 =	sadd.s32 @!p0 $0x88, s6;
	s7 =	simm.s32 @p2 $0x1082  }
0x22: {  	[simem:s7], [sflag:s8] =	dma.local @!p0 [hbm:s6], $0xF7A  }
0x23: {  	s9 =	sor.u32 $0xD0000000, s2;
	s6 =	simm.s32 $0x108;
	_ =	swait.ge @!p0 [sflag:s8], $0x0  }
0x24: {  	s3 =	sadd.s32 $0x88, s3;
	s6 =	simm.s32 @!p1 $0x1082;
	[sflag:s4] =	ssyncset.s32 $0xFFFFF086  }
0x25: {  	[simem:s6], [sflag:s4] =	dma.local [hbm:s3], $0xF7A  }
0x26: {  	[smem:$0x3F9F] =	sst s1;
	(tag) =	ssettag s2;
	_ =	strace s9  }
0x27: {  	s1 =	sld [smem:$0x3FAF]  }
0x28: {  	s2 =	sld [smem:$0x3FB0]  }
0x29: {  	s4 =	sld [smem:$0x3FB2]  }
0x2a: {  	p0 =	seq.s32 s5, $0x0;
	s5 =	sld [smem:$0x3FB3]  }
0x2b: {  	s6 =	sld [smem:$0x3FB4]  }
0x2c: {  	s7 =	sld [smem:$0x3FB5]  }
0x2d: {  	s3 =	simm.s32 $0x108;
	s8 =	sld [smem:$0x3FB6]  }
0x2e: {  	s3 =	simm.s32 @!p0 $0x1082;
	s9 =	sld [smem:$0x3FB7]  }
0x2f: {  	lr =	sadd.s32 s0, s3;
	s0 =	sld [smem:$0x3FAE]  }
0x30: {  	s3 =	sld [smem:$0x3FB1]  }
0x31: {  	[smem:$0x3FBA] =	sst s10  }
0x32: {  	s10 =	sld [smem:$0x3FB8];
	_ =	sdelay $0x3  }
0x33: {  	p0 =	seq.s32 s10, $0x1;
	s10 =	sld [smem:$0x3FBA];
	_ =	sdelay $0x3  }
0x34: {  	[smem:$0x3FBA] =	sst s10  }
0x35: {  	s10 =	sld [smem:$0x3FB9];
	_ =	sdelay $0x3  }
0x36: {  	p1 =	seq.s32 s10, $0x1;
	s10 =	sld [smem:$0x3FBA];
	_ =	sdelay $0x3  }
0x37: {  	[smem:$0x3FBA] =	sst s10  }
0x38: {  	s10 =	sld [smem:$0x3FBB]  }
0x39: {  	_ = 	snop;
	(pc) =	sbr.ind lr, $3  }
0x3a: {  	_ = 	snop  }
0x3b: {  	_ = 	snop  }
0x3c: {  	p2 =	seq.s32 s10, $0x1;
	s10 =	sld [smem:$0x3FBA]  }
0x3d: {  	_ =	shalt  }
0x3e: {  	_ =	shalt  }
0x3f: {  	_ =	shalt  }
0x40: {  	_ =	shalt  }
0x41: {  	_ =	shalt  }
0x42: {  	_ =	shalt  }
0x43: {  	_ =	shalt  }
0x44: {  	_ =	shalt  }
0x45: {  	_ =	shalt  }
0x46: {  	_ =	shalt  }
0x47: {  	_ =	shalt  }
0x48: {  	_ =	shalt  }
0x49: {  	_ =	shalt  }
0x4a: {  	_ =	shalt  }
0x4b: {  	_ =	shalt  }
0x4c: {  	_ =	shalt  }
0x4d: {  	_ =	shalt  }
0x4e: {  	_ =	shalt  }
0x4f: {  	_ =	shalt  }
0x50: {  	_ =	shalt  }
0x51: {  	_ =	shalt  }
0x52: {  	_ =	shalt  }
0x53: {  	_ =	shalt  }
0x54: {  	_ =	shalt  }
0x55: {  	_ =	shalt  }
0x56: {  	_ =	shalt  }
0x57: {  	_ =	shalt  }
0x58: {  	_ =	shalt  }
0x59: {  	_ =	shalt  }
0x5a: {  	_ =	shalt  }
0x5b: {  	_ =	shalt  }
0x5c: {  	_ =	shalt  }
0x5d: {  	_ =	shalt  }
0x5e: {  	_ =	shalt  }
0x5f: {  	_ =	shalt  }
0x60: {  	_ =	shalt  }
0x61: {  	_ =	shalt  }
0x62: {  	_ =	shalt  }
0x63: {  	_ =	shalt  }
0x64: {  	_ =	shalt  }
0x65: {  	_ =	shalt  }
0x66: {  	_ =	shalt  }
0x67: {  	_ =	shalt  }
0x68: {  	_ =	shalt  }
0x69: {  	_ =	shalt  }
0x6a: {  	_ =	shalt  }
0x6b: {  	_ =	shalt  }
0x6c: {  	_ =	shalt  }
0x6d: {  	_ =	shalt  }
0x6e: {  	_ =	shalt  }
0x6f: {  	_ =	shalt  }
0x70: {  	_ =	shalt  }
0x71: {  	_ =	shalt  }
0x72: {  	_ =	shalt  }
0x73: {  	_ =	shalt  }
0x74: {  	_ =	shalt  }
0x75: {  	_ =	shalt  }
0x76: {  	_ =	shalt  }
0x77: {  	_ =	shalt  }
0x78: {  	_ =	shalt  }
0x79: {  	_ =	shalt  }
0x7a: {  	_ =	shalt  }
0x7b: {  	_ =	shalt  }
0x7c: {  	_ =	shalt  }
0x7d: {  	_ =	shalt  }
0x7e: {  	_ =	shalt  }
0x7f: {  	_ =	shalt  }
0x80: {  	_ =	shalt  }
0x81: {  	_ =	shalt  }
0x82: {  	_ =	shalt  }
0x83: {  	_ =	shalt  }
0x84: {  	_ =	shalt  }
0x85: {  	_ =	shalt  }
0x86: {  	_ =	shalt  }
0x87: {  	_ =	shalt  }
.Lfunc_end0:
.L_simem_size_0:
called_computation_lowered:
.L_overlay_start_0:
0x88: {  	s2 =	sld [smem:$0x3FD9]  }
0x89: {  	s3 =	sld [smem:$0x3FFE];
	_ =	sdelay $0x1  }
0x8a: {  	s1 =	srdreg.scid  }
0x8b: {  	s0 =	sand.u32 $0x1, s1  }
0x8c: {  	s18 =	sshll.u32 s0, $0xA;
	s2 =	sadd.s32 s3, s2  }
0x8d: {  	s2 =	sadd.s32 s2, s18  }
0x8e: {  	[smem:$0x3FC6] =	sst s2  }
0x8f: {  	_ = 	snop  }
0x90: {  	s2 =	sld [smem:$0x3FC9]  }
0x91: {  	s19 =	sld [smem:$0x3FC8]  }
0x92: {  	s4 =	sld [smem:$0x3FD0];
	(tm) =	ssettm $0x1  }
0x93: {  	s5 =	sld [smem:$0x3FFB];
	_ =	sdelay $0x3  }
0x94: {  	_ =	strace s5  }
0x95: {  	s5 =	sld [smem:$0x3FFC];
	_ =	sdelay $0x3  }
0x96: {  	_ =	strace s5  }
0x97: {  	s5 =	sld [smem:$0x3FFD];
	_ =	sdelay $0x3  }
0x98: {  	_ =	strace s5  }
0x99: {  	_ =	strace $0x8FFFFFFF  }
0x9a: {  	s20 =	sld [smem:$0x3FDB];
	_ =	sdelay $0x1  }
0x9b: {  	s6 =	simm.s32 $_scs_section_size  }
0x9c: {  	s7 =	simm.s32 $_size__tile_overlayer_lowered;
	s8 =	simm.s32 $_tile_overlayer_lowered  }
0x9d: {  	s23 =	simm.s32 $0x1BFF;
	s22 =	sshll.u32 s8, $0x1;
	s5 =	sadd.s32 s6, s20  }
0x9e: {  	s9 =	simm.s32 $0x0;
	s21 =	sshll.u32 s7, $0x1;
	s7 =	sadd.s32 s22, s5  }
0x9f: {  	[timem:s9], [sflag:s23] =	dma.local [hbm:s7], s21  }
0xa0: {  	_ =	swait.ge [sflag:s23], s21  }
0xa1: {  	s6 =	ssub.s32 $0x0, s21;
	[sflag:s23] =	ssyncset.done $0x0  }
0xa2: {  	[sflag:s23] =	ssyncadd.s32 s6;
	_ =	sdelay $0x1  }
0xa3: {  	s24 =	simm.s32 $0x1B8B  }
0xa4: {  	_ =	swait.ge [sflag:s24], $0x1  }
0xa5: {  	[sflag:s24] =	ssyncset.done $0x0  }
0xa6: {  	s25 =	simm.s32 $0x1B8E;
	[sflag:s24] =	ssyncadd.s32 $0xFFFFFFFF  }
0xa7: {  	s26 =	simm.s32 $execute0_lowered;
	[smem:$0x3FD2] =	sst s25  }
0xa8: {  	s6 =	sshll.u32 s26, $0x1;
	_ =	strace $0x80000046;
	[dreg:$0x1] =	wrdreg $0xFFFFFFFF  }
0xa9: {  	s28 =	simm.s32 $_size_execute0_lowered;
	s5 =	sadd.s32 s5, s6;
	[dreg:$0x0] =	wrdreg $0x0  }
0xaa: {  	s6 =	sshll.u32 s28, $0x1;
	[dreg:$0x2] =	wrdreg s5  }
0xab: {  	[dreg:$0x3] =	wrdreg s6  }
0xac: {  	[dreg:$0x4] =	wrdreg $0xC0  }
0xad: {  	_ =	task [dreg:s9], $0x5FFFF  }
0xae: {  	[dreg:$0x1] =	wrdreg $0xFFFFFFFF  }
0xaf: {  	[dreg:$0x0] =	wrdreg $0x60  }
0xb0: {  	[dreg:$0x2] =	wrdreg s2  }
0xb1: {  	[dreg:$0x3] =	wrdreg s19  }
0xb2: {  	[dreg:$0x4] =	wrdreg s4  }
0xb3: {  	[dreg:$0x5] =	wrdreg $0x9  }
0xb4: {  	_ =	task.clear_ibuf [dreg:s9], $0x6FFFF;
	_ =	strace $0x90000046  }
0xb5: {  	s29 =	simm.s32 $0x9;
	_ =	strace $0x80000048  }
0xb6: {  	_ =	swait.ge [sflag:s29], $0x1  }
0xb7: {  	[sflag:s29] =	ssyncadd.s32 $0xFFFFFFFF  }
0xb8: {  	_ =	strace $0x90000048  }
0xb9: {  	_ =	sfence  }
0xba: {  	s30 =	sld [smem:$0x0];
	_ =	sdelay $0x2  }
0xbb: {  	s31 =	sshll.u32 s1, $0xD;
	s1 =	sshrl.u32 s1, $0x2  }
0xbc: {  	s3 =	sand.u32 $0x4000, s31;
	s1 =	sadd.s32 s1, s30  }
0xbd: {  	s0 =	sor.u32 s3, s0;
	s1 =	sshll.u32 s1, $0x11  }
0xbe: {  	s0 =	sor.u32 s1, s0  }
0xbf: {  	s0 =	sadd.s32 $0x8F2B, s0  }
0xc0: {  	[sflag:s0] =	ssyncadd.remote.s32 $0x1  }
0xc1: {  	_ =	sfence.sel $0xFFFF  }
0xc2: {  	[dreg:$0x0] =	wrdreg $0xFFFFFFFF;
	(pc) =	sbr.abs _section_cstart, $3  }
0xc3: {  	[dreg:$0x1] =	wrdreg $0xFFFFFFFF  }
0xc4: {  	_ =	task.clear_ibuf [dreg:s9], $0x2FFFF;
	_ =	strace $0x9FFFFFFF  }
0xc5: {  	(tm) =	ssettm $0x7FFFFFFF  }
tec
execute0_lowered:
.L_overlay_start_1:
0x0: {  	(tag) =	ssettag $0x1  }
0x1: {  	s1 =	rddreg [dreg:$0x0]  }
0x2: {  	s6 =	rddreg [dreg:$0x1]  }
0x3: {  	s5 =	rddreg [dreg:$0x2]  }
0x4: {  	s3 =	srdreg.scid;
	s2 =	stileid.u32;
	s11 =	simm.s32 $0x6  }
0x5: {  	s12 =	simm.s32 $0x80;
	s13 =	simm.s32 $0x200;
	s14 =	simm.s32 $0x400  }
0x6: {  	s15 =	simm.s32 $0x280;
	s16 =	simm.s32 $0x4400;
	s17 =	simm.s32 $0x300  }
0x7: {  	s18 =	simm.s32 $0x8400;
	s19 =	simm.s32 $0x380;
	s20 =	simm.s32 $0xC400  }
0x8: {  	s21 =	simm.s32 $0x1;
	s22 =	simm.s32 $0x2;
	s23 =	simm.s32 $0x3  }
0x9: {  	s24 =	simm.s32 $0x4;
	s25 =	simm.s32 $0x5;
	s26 =	simm.s32 $0x0  }
0xa: {  	s4 =	sand.u32 $0x1, s3;
	s3 =	simm.s32 $0x0;
	s7 =	sshll.u32 s2, $0xA  }
0xb: {  	s8 =	sshll.u32 s4, $0x9;
	[smem:$0x7FF] =	sst s3;
	s9 =	ssub.s32 $0x2, s4  }
0xc: {  	s4 =	sor.u32 s8, s7;
	_ =	strace $0x80000047;
	s30 =	sshrl.u32 s9, $0x1  }
0xd: {  	s8 =	sshll.u32 s4, $0x4;
	s10 =	ssub.s32 s9, s30;
	s31 =	sshrl.u32 s4, $0x3  }
0xe: {  	s5 =	sadd.s32 s5, s8;
	s6 =	sadd.s32 s6, s31;
	s10 =	smax.u32 s10, $0x1  }
0xf: {  	v0 =	vlaneseq.u32;
	s7 =	sadd.s32 $0x800, s5;
	s8 =	sadd.s32 $0x1000, s5;
	s9 =	sadd.s32 $0x1800, s5  }
.LBB2_1:
0x10: {  	[tilespmem:s3], [sflag:$0x6] =	stream.linear.gather [hbm4b:s6+s3], $0x200, $0x38;
	[tilespmem:$0x10400] =	vst v63  }
0x11: {  	_ =	swait.ge [sflag:s11], $0x200  }
0x12: {  	[sflag:s11] =	ssyncset.done $0x0  }
0x13: {  	s28 =	simm.s32 $0x0;
	[sflag:s11] =	ssyncadd.s32 $0xFFFFFE00  }
0x14: {  	v1 =	vld [tilespmem:s28+$0x0];
	_ =	sdelay $0x4  }
0x15: {  	s29 =	sand.u32 $0x600, s3;
	s28 =	sadd.s32 $0x0, s4;
	v1 =	vshll.u32 v1, $0xE  }
0x16: {  	s30 =	sand.u32 $0x70, s3;
	s29 =	sshrl.u32 s29, $0x2;
	v1 =	vadd.s32 s28, v1  }
0x17: {  	s31 =	simm.s32 $0x10;
	s29 =	sor.u32 s30, s29;
	v1 =	vor.u32 v0, v1  }
0x18: {  	s30 =	simm.s32 $0x80;
	s28 =	simm.s32 $0x40;
	[tilespmem:s29+$0x200] =	vst v1;
	s29 =	simm.s32 $0x0  }
.LBB2_2:
0x19: {  	p0 =	sne.s32 s30, $0x7C0;
	v1 =	vld [tilespmem:s31+$0x0];
	_ =	sdelay $0x3  }
.Ltmp0:
0x1a: {  	s29 =	sadd.s32 $0x10, s29;
	(pc) =	sbr.rel @p0 .LBB2_2-.Ltmp0, $4  }
0x1b: {  	s0 =	sand.u32 $0x600, s28;
	s28 =	smov.u32 s30;
	s31 =	sadd.s32 s29, s4;
	v1 =	vshll.u32 v1, $0xE  }
0x1c: {  	s0 =	sshrl.u32 s0, $0x2;
	v1 =	vadd.s32 s31, v1;
	s31 =	sand.u32 $0x70, s29  }
0x1d: {  	v1 =	vor.u32 v0, v1;
	s0 =	sor.u32 s31, s0  }
0x1e: {  	s30 =	sadd.s32 $0x40, s30;
	s31 =	sshra.s32 s28, $0x2;
	[tilespmem:s0+$0x200] =	vst v1  }
0x1f: {  	v1 =	vld [tilespmem:s31+$0x0];
	_ =	sdelay $0x3  }
0x20: {  	s0 =	sadd.s32 $0x10, s29  }
0x21: {  	s28 =	sand.u32 $0x600, s28;
	s29 =	sadd.s32 s0, s4;
	v1 =	vshll.u32 v1, $0xE  }
0x22: {  	s0 =	sand.u32 $0x70, s0;
	s28 =	sshrl.u32 s28, $0x2;
	v1 =	vadd.s32 s29, v1  }
0x23: {  	s0 =	sor.u32 s0, s28;
	v1 =	vor.u32 v0, v1  }
0x24: {  	[tilespmem:s0+$0x200] =	vst v1  }
0x25: {  	[tilespmem:s14], [sflag:$0x1] =	stream.indirect.gather [hbm4b:s1+s12], $0x80, s13, s12, $0xb8;
	[tilespmem:$0x10400] =	vst v63  }
0x26: {  	_ = 	snop  }
0x27: {  	[tilespmem:s16], [sflag:$0x2] =	stream.indirect.gather [hbm4b:s1+s12], $0x80, s15, s12, $0xb8;
	[tilespmem:$0x10400] =	vst v63  }
0x28: {  	_ = 	snop  }
0x29: {  	[tilespmem:s18], [sflag:$0x3] =	stream.indirect.gather [hbm4b:s1+s12], $0x80, s17, s12, $0xb8;
	[tilespmem:$0x10400] =	vst v63  }
0x2a: {  	_ = 	snop  }
0x2b: {  	[tilespmem:s20], [sflag:$0x4] =	stream.indirect.gather [hbm4b:s1+s12], $0x80, s19, s12, $0xb8;
	[tilespmem:$0x10400] =	vst v63  }
0x2c: {  	_ =	swait.ge [sflag:s21], $0x4000  }
0x2d: {  	[sflag:s21] =	ssyncset.done $0x0  }
0x2e: {  	[sflag:s21] =	ssyncadd.s32 $0xFFFFC000  }
0x2f: {  	[hbm4b:s5+s3] =	stream.linear.scatter [tilespmem:s14], [sflag:$0x5], $0x4000, $0x38;
	[tilespmem:$0x10400] =	vst v63  }
0x30: {  	_ =	swait.ge [sflag:s22], $0x4000  }
0x31: {  	[sflag:s22] =	ssyncset.done $0x0  }
0x32: {  	[sflag:s22] =	ssyncadd.s32 $0xFFFFC000  }
0x33: {  	[hbm4b:s7+s3] =	stream.linear.scatter [tilespmem:s16], [sflag:$0x5], $0x4000, $0x38;
	[tilespmem:$0x10400] =	vst v63  }
0x34: {  	_ =	swait.ge [sflag:s23], $0x4000  }
0x35: {  	[sflag:s23] =	ssyncset.done $0x0  }
0x36: {  	[sflag:s23] =	ssyncadd.s32 $0xFFFFC000  }
0x37: {  	[hbm4b:s8+s3] =	stream.linear.scatter [tilespmem:s18], [sflag:$0x5], $0x4000, $0x38;
	[tilespmem:$0x10400] =	vst v63  }
0x38: {  	_ =	swait.ge [sflag:s24], $0x4000  }
0x39: {  	[sflag:s24] =	ssyncset.done $0x0  }
0x3a: {  	[sflag:s24] =	ssyncadd.s32 $0xFFFFC000  }
0x3b: {  	[hbm4b:s9+s3] =	stream.linear.scatter [tilespmem:s20], [sflag:$0x5], $0x4000, $0x38;
	[tilespmem:$0x10400] =	vst v63  }
0x3c: {  	_ =	swait.ge [sflag:s25], $0x4000  }
0x3d: {  	[sflag:s25] =	ssyncset.done $0x0  }
0x3e: {  	[sflag:s25] =	ssyncadd.s32 $0xFFFFC000  }
0x3f: {  	_ =	swait.ge [sflag:s25], $0x4000  }
0x40: {  	[sflag:s25] =	ssyncset.done $0x0  }
0x41: {  	s26 =	sadd.s32 $0x1, s26;
	[sflag:s25] =	ssyncadd.s32 $0xFFFFC000  }
0x42: {  	p0 =	sne.s32 s26, s10;
	_ =	swait.ge [sflag:s25], $0x4000  }
.Ltmp1:
0x43: {  	[sflag:s25] =	ssyncset.done $0x0;
	(pc) =	sbr.rel @p0 .LBB2_1-.Ltmp1, $4  }
0x44: {  	[sflag:s25] =	ssyncadd.s32 $0xFFFFC000  }
0x45: {  	_ =	swait.ge [sflag:s25], $0x4000  }
0x46: {  	[sflag:s25] =	ssyncset.done $0x0  }
0x47: {  	[sflag:s25] =	ssyncadd.s32 $0xFFFFC000  }
0x48: {  	_ =	sfence.sel $0x180000  }
0x49: {  	[bflag:$0x0] =	sbarrier.arrive $0xFFFF  }
0x4a: {  	_ =	strace $0x90000047  }
0x4b: {  	[bflag:$0x2] =	sbarrier.arrive $0xFFFF  }
0x4c: {  	p0 =	sne.s32 s2, $0x0;
	s0 =	rddreg [dreg:$0x3]  }
0x4d: {  	s0 =	sadd.s32 @!p0 $0x100000, s0  }
0x4e: {  	[sflag:s0] =	ssyncadd.tile.s32 @!p0 $0x1;
	_ =	shalt  }
.Lfunc_end2:
_tile_overlayer_lowered:
.L_overlay_start_2:
0x4f: {  	(tag) =	ssettag $0x2  }
0x50: {  	s0 =	rddreg [dreg:$0x0];
	s2 =	stileid.u32  }
0x51: {  	s1 =	rddreg [dreg:$0x1];
	p0 =	sne.s32 s2, $0x0  }
0x52: {  	s3 =	rddreg [dreg:$0x2];
	[bflag:$0x3] =	sbarrier.arrive $0xFFFF;
	s2 =	simm.s32 @!p0 $0x1C06  }
0x53: {  	[timem:s3], [sflag:s2] =	dma.local @!p0 [hbm:s0], s1  }
0x54: {  	s0 =	simm.s32 @!p0 $0x6  }
0x55: {  	_ =	swait.ge @!p0 [sflag:s0], s1  }
0x56: {  	s1 =	ssub.s32 @!p0 $0x0, s1;
	[sflag:s0] =	ssyncset.done @!p0 $0x0  }
0x57: {  	[sflag:s0] =	ssyncadd.s32 @!p0 s1  }
0x58: {  	[bflag:$0x3] =	sbarrier.arrive $0xFFFF  }
0x59: {  	_ =	shalt  }

</sc_bundles>
